<compile_context>
chip_gen: v7x
topology: tpu7x:2x2x1
jax: 0.10.2.dev20260603
libtpu: 0.0.44.dev20260713+nightly
codegen_flags: <defaults>
</compile_context>

<pallas_src>
import functools

import jax
import jax.numpy as jnp
from jax import lax
from jax.experimental import pallas as pl
from jax.experimental.pallas import tpu as pltpu
from jax.experimental.pallas import tpu_sc as plsc

_NC = 2
_NS = 16
_NW = _NC * _NS


@functools.partial(jax.jit, static_argnames=("chunk", "nbuf"))
def _sc_gather(idx, table, chunk=8, nbuf=4):
    S = idx.shape[1]
    B = idx.shape[0] * S
    D = table.shape[1]
    b_per_w = B // _NW
    n_chunks = b_per_w // chunk
    assert n_chunks % nbuf == 0
    mesh = plsc.VectorSubcoreMesh(core_axis_name="c", subcore_axis_name="s")

    @functools.partial(
        pl.kernel,
        out_type=jax.ShapeDtypeStruct((B, D), jnp.float32),
        mesh=mesh,
        scratch_types=(
            [pltpu.VMEM((b_per_w,), jnp.int32)]
            + [pltpu.VMEM((chunk, D), jnp.float32) for _ in range(nbuf)]
            + [pltpu.SemaphoreType.DMA for _ in range(2 * nbuf)]
        ),
    )
    def k(idx_hbm, table_hbm, out_hbm, idx_v, *bufs_and_sems):
        bufs = bufs_and_sems[:nbuf]
        gsems = bufs_and_sems[nbuf:2 * nbuf]
        osems = bufs_and_sems[2 * nbuf:]

        wid = lax.axis_index("c") * _NS + lax.axis_index("s")
        base = wid * b_per_w
        r = base // S
        cl = base - r * S
        pltpu.sync_copy(idx_hbm.at[r, pl.ds(cl, b_per_w)], idx_v)

        def start_gather(c, b):
            pltpu.make_async_copy(
                table_hbm.at[idx_v.at[pl.ds(c * chunk, chunk)]],
                bufs[b], gsems[b],
            ).start()

        def wait_gather(b):
            pltpu.make_async_copy(
                table_hbm.at[idx_v.at[pl.ds(0, chunk)]], bufs[b], gsems[b]
            ).wait()

        def start_out(c, b):
            pltpu.make_async_copy(
                bufs[b], out_hbm.at[pl.ds(base + c * chunk, chunk)], osems[b]
            ).start()

        def wait_out(b):
            pltpu.make_async_copy(
                bufs[b], out_hbm.at[pl.ds(base, chunk)], osems[b]
            ).wait()

        for b in range(nbuf):
            start_gather(b, b)

        @pl.loop(0, n_chunks, step=nbuf)
        def _(c):
            for b in range(nbuf):
                wait_gather(b)
                start_out(c + b, b)
            for b in range(nbuf):
                @pl.when(c + nbuf + b < n_chunks)
                def _(b=b):
                    wait_out(b)
                    start_gather(c + nbuf + b, b)

        for b in range(nbuf):
            wait_out(b)

    return k(idx, table)


def kernel(input_ids, weight):
    b, s = input_ids.shape
    out = _sc_gather(input_ids.astype(jnp.int32), weight)
    return out.reshape(b, s, weight.shape[1])

# --- scband reference (transcript-rebuilt; emitter-appended) ---
"""Pipeline reference for scband-embedding-7370163880361 (READ-ONLY COPY).

The authoritative reference and input builder live on the scoring server;
editing this copy changes nothing except your own understanding.
"""

import jax, jax.numpy as jnp
import numpy as np

VOCAB = 100000
D_MODEL = 2048
BATCH = 4
SEQ = 2048

def setup_inputs(seed: int = 0) -> dict:
    key = jax.random.key(seed)
    k_idx, k_w = jax.random.split(key)
    input_ids = jax.random.randint(k_idx, (BATCH, SEQ), 0, VOCAB, dtype=jnp.int64 if jax.config.read('jax_enable_x64') else jnp.int32)
    weight = jax.random.normal(k_w, (VOCAB, D_MODEL), dtype=jnp.float32) * 0.02
    return {"input_ids": input_ids, "weight": weight}

def reference(input_ids, weight):
    # transformer.embed_tokens(input_ids) == row gather from embedding table
    return jnp.take(weight, input_ids, axis=0)

if __name__ == "__main__":
    import jax
    _d = setup_inputs()
    print(jax.jit(kernel)(*tuple(_d.values())))

</pallas_src>

<mosaic_0001>
#map = affine_map<(d0, d1) -> (0, 0)>
module attributes {stable_mosaic.version = 14 : i64} {
  func.func @k(%arg0: i32, %arg1: i32, %arg2: memref<4x2048xi32, #tpu.memory_space<hbm>>, %arg3: memref<100000x2048xf32, #tpu.memory_space<hbm>>, %arg4: memref<8192x2048xf32, #tpu.memory_space<hbm>>, %arg5: memref<256xi32, #tpu.memory_space<vmem>>, %arg6: memref<8x2048xf32, #tpu.memory_space<vmem>>, %arg7: memref<8x2048xf32, #tpu.memory_space<vmem>>, %arg8: memref<8x2048xf32, #tpu.memory_space<vmem>>, %arg9: memref<8x2048xf32, #tpu.memory_space<vmem>>, %arg10: memref<!tpu.dma_semaphore, #tpu.memory_space<semaphore_mem>>, %arg11: memref<!tpu.dma_semaphore, #tpu.memory_space<semaphore_mem>>, %arg12: memref<!tpu.dma_semaphore, #tpu.memory_space<semaphore_mem>>, %arg13: memref<!tpu.dma_semaphore, #tpu.memory_space<semaphore_mem>>, %arg14: memref<!tpu.dma_semaphore, #tpu.memory_space<semaphore_mem>>, %arg15: memref<!tpu.dma_semaphore, #tpu.memory_space<semaphore_mem>>, %arg16: memref<!tpu.dma_semaphore, #tpu.memory_space<semaphore_mem>>, %arg17: memref<!tpu.dma_semaphore, #tpu.memory_space<semaphore_mem>>) attributes {dimension_semantics = [#tpu.dimension_semantics<core_parallel>, #tpu.dimension_semantics<subcore_parallel>], iteration_bounds = array<i64: 2, 16>, scalar_prefetch = 0 : i64, scratch_operands = 13 : i64, tpu.core_type = #tpu.core_type<sc_vector_subcore>, window_params = [{transform_indices = #map}, {transform_indices = #map}, {transform_indices = #map}]} {
    %mul3A = arith.constant 16 : i32
    %mul3A_0 = arith.muli %arg0, %mul3A : i32
    %add3A = arith.addi %mul3A_0, %arg1 : i32
    %mul3A_1 = arith.constant 256 : i32
    %mul3A_2 = arith.muli %add3A, %mul3A_1 : i32
    %jit3A = arith.constant 2048 : i32
    %div3A = arith.divsi %mul3A_2, %jit3A : i32
    %sign3A = arith.constant 0 : i32
    %sign3A_3 = arith.cmpi sgt, %mul3A_2, %sign3A : i32
    %sign3A_4 = arith.extui %sign3A_3 : i1 to i32
    %sign3A_5 = arith.constant 0 : i32
    %sign3A_6 = arith.cmpi slt, %mul3A_2, %sign3A_5 : i32
    %sign3A_7 = arith.extui %sign3A_6 : i1 to i32
    %sign3A_8 = arith.subi %sign3A_4, %sign3A_7 : i32
    %sign3A_9 = arith.constant 0 : i32
    %sign3A_10 = arith.cmpi sgt, %jit3A, %sign3A_9 : i32
    %sign3A_11 = arith.extui %sign3A_10 : i1 to i32
    %sign3A_12 = arith.constant 0 : i32
    %sign3A_13 = arith.cmpi slt, %jit3A, %sign3A_12 : i32
    %sign3A_14 = arith.extui %sign3A_13 : i1 to i32
    %sign3A_15 = arith.subi %sign3A_11, %sign3A_14 : i32
    %ne3A = arith.cmpi ne, %sign3A_8, %sign3A_15 : i32
    %rem3A = arith.remsi %mul3A_2, %jit3A : i32
    %ne3A_16 = arith.constant 0 : i32
    %ne3A_17 = arith.cmpi ne, %rem3A, %ne3A_16 : i32
    %and3A = arith.andi %ne3A, %ne3A_17 : i1
    %sub3A = arith.constant 1 : i32
    %sub3A_18 = arith.subi %div3A, %sub3A : i32
    %select_n3A = arith.select %and3A, %sub3A_18, %div3A : i32
    %mul3A_19 = arith.constant 2048 : i32
    %mul3A_20 = arith.muli %select_n3A, %mul3A_19 : i32
    %sub3A_21 = arith.subi %mul3A_2, %mul3A_20 : i32
    "tpu.region"() ({
      %run_scoped3A = tpu.sem_alloc : memref<!tpu.dma_semaphore, #tpu.memory_space<semaphore_mem>>
      %dma_start3A_60 = tpu.memref_slice %arg2[%select_n3A, %sub3A_21] : memref<4x2048xi32, #tpu.memory_space<hbm>> -> memref<1x256xi32, #tpu.memory_space<hbm>>
      %dma_start3A_61 = tpu.memref_squeeze %dma_start3A_60 : memref<1x256xi32, #tpu.memory_space<hbm>> -> memref<256xi32, #tpu.memory_space<hbm>>
      %dma_start3A_62 = tpu.memref_slice %arg2[%select_n3A, %sub3A_21] : memref<4x2048xi32, #tpu.memory_space<hbm>> -> memref<1x256xi32, #tpu.memory_space<hbm>>
      %dma_start3A_63 = tpu.memref_squeeze %dma_start3A_62 : memref<1x256xi32, #tpu.memory_space<hbm>> -> memref<256xi32, #tpu.memory_space<hbm>>
      tpu.enqueue_dma source(%dma_start3A_63 : memref<256xi32, #tpu.memory_space<hbm>>) target(%arg5 : memref<256xi32, #tpu.memory_space<vmem>>) target_semaphore(%run_scoped3A : memref<!tpu.dma_semaphore, #tpu.memory_space<semaphore_mem>>)
      %dma_wait3A_64 = tpu.memref_slice %arg2[%select_n3A, %sub3A_21] : memref<4x2048xi32, #tpu.memory_space<hbm>> -> memref<1x256xi32, #tpu.memory_space<hbm>>
      %dma_wait3A_65 = tpu.memref_squeeze %dma_wait3A_64 : memref<1x256xi32, #tpu.memory_space<hbm>> -> memref<256xi32, #tpu.memory_space<hbm>>
      %dma_wait3A_66 = tpu.memref_slice %arg2[%select_n3A, %sub3A_21] : memref<4x2048xi32, #tpu.memory_space<hbm>> -> memref<1x256xi32, #tpu.memory_space<hbm>>
      %dma_wait3A_67 = tpu.memref_squeeze %dma_wait3A_66 : memref<1x256xi32, #tpu.memory_space<hbm>> -> memref<256xi32, #tpu.memory_space<hbm>>
      tpu.wait_dma2 semaphore(%run_scoped3A : memref<!tpu.dma_semaphore, #tpu.memory_space<semaphore_mem>>) src(%dma_wait3A_67 : memref<256xi32, #tpu.memory_space<hbm>>) dst(%arg5 : memref<256xi32, #tpu.memory_space<vmem>>)
      tpu.yield
    }) : () -> ()
    %dma_start3A = arith.constant 0 : i32
    %dma_start3A_22 = tpu.memref_slice %arg5[%dma_start3A] : memref<256xi32, #tpu.memory_space<vmem>> -> memref<8xi32, #tpu.memory_space<vmem>>
    %dma_start3A_23 = arith.constant 0 : i32
    %dma_start3A_24 = arith.constant 0 : i32
    %dma_start3A_25 = tpu.memref_slice %arg3[%dma_start3A_23, %dma_start3A_24] : memref<100000x2048xf32, #tpu.memory_space<hbm>> -> memref<100000x2048xf32, #tpu.memory_space<hbm>>
    tpu.enqueue_indirect_dma source(%dma_start3A_25 : memref<100000x2048xf32, #tpu.memory_space<hbm>>) target(%arg6 : memref<8x2048xf32, #tpu.memory_space<vmem>>) offsets(%dma_start3A_22 : memref<8xi32, #tpu.memory_space<vmem>>) semaphore(%arg10 : memref<!tpu.dma_semaphore, #tpu.memory_space<semaphore_mem>>)
    %dma_start3A_26 = arith.constant 8 : i32
    %dma_start3A_27 = tpu.memref_slice %arg5[%dma_start3A_26] : memref<256xi32, #tpu.memory_space<vmem>> -> memref<8xi32, #tpu.memory_space<vmem>>
    %dma_start3A_28 = arith.constant 0 : i32
    %dma_start3A_29 = arith.constant 0 : i32
    %dma_start3A_30 = tpu.memref_slice %arg3[%dma_start3A_28, %dma_start3A_29] : memref<100000x2048xf32, #tpu.memory_space<hbm>> -> memref<100000x2048xf32, #tpu.memory_space<hbm>>
    tpu.enqueue_indirect_dma source(%dma_start3A_30 : memref<100000x2048xf32, #tpu.memory_space<hbm>>) target(%arg7 : memref<8x2048xf32, #tpu.memory_space<vmem>>) offsets(%dma_start3A_27 : memref<8xi32, #tpu.memory_space<vmem>>) semaphore(%arg11 : memref<!tpu.dma_semaphore, #tpu.memory_space<semaphore_mem>>)
    %dma_start3A_31 = arith.constant 16 : i32
    %dma_start3A_32 = tpu.memref_slice %arg5[%dma_start3A_31] : memref<256xi32, #tpu.memory_space<vmem>> -> memref<8xi32, #tpu.memory_space<vmem>>
    %dma_start3A_33 = arith.constant 0 : i32
    %dma_start3A_34 = arith.constant 0 : i32
    %dma_start3A_35 = tpu.memref_slice %arg3[%dma_start3A_33, %dma_start3A_34] : memref<100000x2048xf32, #tpu.memory_space<hbm>> -> memref<100000x2048xf32, #tpu.memory_space<hbm>>
    tpu.enqueue_indirect_dma source(%dma_start3A_35 : memref<100000x2048xf32, #tpu.memory_space<hbm>>) target(%arg8 : memref<8x2048xf32, #tpu.memory_space<vmem>>) offsets(%dma_start3A_32 : memref<8xi32, #tpu.memory_space<vmem>>) semaphore(%arg12 : memref<!tpu.dma_semaphore, #tpu.memory_space<semaphore_mem>>)
    %dma_start3A_36 = arith.constant 24 : i32
    %dma_start3A_37 = tpu.memref_slice %arg5[%dma_start3A_36] : memref<256xi32, #tpu.memory_space<vmem>> -> memref<8xi32, #tpu.memory_space<vmem>>
    %dma_start3A_38 = arith.constant 0 : i32
    %dma_start3A_39 = arith.constant 0 : i32
    %dma_start3A_40 = tpu.memref_slice %arg3[%dma_start3A_38, %dma_start3A_39] : memref<100000x2048xf32, #tpu.memory_space<hbm>> -> memref<100000x2048xf32, #tpu.memory_space<hbm>>
    tpu.enqueue_indirect_dma source(%dma_start3A_40 : memref<100000x2048xf32, #tpu.memory_space<hbm>>) target(%arg9 : memref<8x2048xf32, #tpu.memory_space<vmem>>) offsets(%dma_start3A_37 : memref<8xi32, #tpu.memory_space<vmem>>) semaphore(%arg13 : memref<!tpu.dma_semaphore, #tpu.memory_space<semaphore_mem>>)
    %scan3A = arith.constant 0 : i32
    %scan3A_41 = arith.constant 8 : i32
    %scan3A_42 = arith.addi %scan3A, %scan3A_41 : i32
    %scan3A_43 = arith.constant 1 : i32
    scf.for %scan3A_60 = %scan3A to %scan3A_42 step %scan3A_43  : i32 {
      %mul3A_61 = arith.constant 4 : i32
      %mul3A_62 = arith.muli %scan3A_60, %mul3A_61 : i32
      %add3A_63 = arith.constant 0 : i32
      %add3A_64 = arith.addi %add3A_63, %mul3A_62 : i32
      %dma_wait3A_65 = arith.constant 0 : i32
      %dma_wait3A_66 = tpu.memref_slice %arg5[%dma_wait3A_65] : memref<256xi32, #tpu.memory_space<vmem>> -> memref<8xi32, #tpu.memory_space<vmem>>
      %dma_wait3A_67 = arith.constant 0 : i32
      %dma_wait3A_68 = arith.constant 0 : i32
      %dma_wait3A_69 = tpu.memref_slice %arg3[%dma_wait3A_67, %dma_wait3A_68] : memref<100000x2048xf32, #tpu.memory_space<hbm>> -> memref<100000x2048xf32, #tpu.memory_space<hbm>>
      tpu.wait_indirect_dma semaphore(%arg10 : memref<!tpu.dma_semaphore, #tpu.memory_space<semaphore_mem>>) src(%dma_wait3A_69 : memref<100000x2048xf32, #tpu.memory_space<hbm>>) dst(%arg6 : memref<8x2048xf32, #tpu.memory_space<vmem>>)
      %add3A_70 = arith.constant 0 : i32
      %add3A_71 = arith.addi %add3A_64, %add3A_70 : i32
      %mul3A_72 = arith.constant 8 : i32
      %mul3A_73 = arith.muli %add3A_71, %mul3A_72 : i32
      %add3A_74 = arith.addi %mul3A_2, %mul3A_73 : i32
      %dma_start3A_75 = arith.constant 0 : i32
      %dma_start3A_76 = tpu.memref_slice %arg4[%add3A_74, %dma_start3A_75] : memref<8192x2048xf32, #tpu.memory_space<hbm>> -> memref<8x2048xf32, #tpu.memory_space<hbm>>
      %dma_start3A_77 = arith.constant 0 : i32
      %dma_start3A_78 = tpu.memref_slice %arg4[%add3A_74, %dma_start3A_77] : memref<8192x2048xf32, #tpu.memory_space<hbm>> -> memref<8x2048xf32, #tpu.memory_space<hbm>>
      tpu.enqueue_dma source(%arg6 : memref<8x2048xf32, #tpu.memory_space<vmem>>) target(%dma_start3A_78 : memref<8x2048xf32, #tpu.memory_space<hbm>>) target_semaphore(%arg14 : memref<!tpu.dma_semaphore, #tpu.memory_space<semaphore_mem>>)
      %dma_wait3A_79 = arith.constant 0 : i32
      %dma_wait3A_80 = tpu.memref_slice %arg5[%dma_wait3A_79] : memref<256xi32, #tpu.memory_space<vmem>> -> memref<8xi32, #tpu.memory_space<vmem>>
      %dma_wait3A_81 = arith.constant 0 : i32
      %dma_wait3A_82 = arith.constant 0 : i32
      %dma_wait3A_83 = tpu.memref_slice %arg3[%dma_wait3A_81, %dma_wait3A_82] : memref<100000x2048xf32, #tpu.memory_space<hbm>> -> memref<100000x2048xf32, #tpu.memory_space<hbm>>
      tpu.wait_indirect_dma semaphore(%arg11 : memref<!tpu.dma_semaphore, #tpu.memory_space<semaphore_mem>>) src(%dma_wait3A_83 : memref<100000x2048xf32, #tpu.memory_space<hbm>>) dst(%arg7 : memref<8x2048xf32, #tpu.memory_space<vmem>>)
      %add3A_84 = arith.constant 1 : i32
      %add3A_85 = arith.addi %add3A_64, %add3A_84 : i32
      %mul3A_86 = arith.constant 8 : i32
      %mul3A_87 = arith.muli %add3A_85, %mul3A_86 : i32
      %add3A_88 = arith.addi %mul3A_2, %mul3A_87 : i32
      %dma_start3A_89 = arith.constant 0 : i32
      %dma_start3A_90 = tpu.memref_slice %arg4[%add3A_88, %dma_start3A_89] : memref<8192x2048xf32, #tpu.memory_space<hbm>> -> memref<8x2048xf32, #tpu.memory_space<hbm>>
      %dma_start3A_91 = arith.constant 0 : i32
      %dma_start3A_92 = tpu.memref_slice %arg4[%add3A_88, %dma_start3A_91] : memref<8192x2048xf32, #tpu.memory_space<hbm>> -> memref<8x2048xf32, #tpu.memory_space<hbm>>
      tpu.enqueue_dma source(%arg7 : memref<8x2048xf32, #tpu.memory_space<vmem>>) target(%dma_start3A_92 : memref<8x2048xf32, #tpu.memory_space<hbm>>) target_semaphore(%arg15 : memref<!tpu.dma_semaphore, #tpu.memory_space<semaphore_mem>>)
      %dma_wait3A_93 = arith.constant 0 : i32
      %dma_wait3A_94 = tpu.memref_slice %arg5[%dma_wait3A_93] : memref<256xi32, #tpu.memory_space<vmem>> -> memref<8xi32, #tpu.memory_space<vmem>>
      %dma_wait3A_95 = arith.constant 0 : i32
      %dma_wait3A_96 = arith.constant 0 : i32
      %dma_wait3A_97 = tpu.memref_slice %arg3[%dma_wait3A_95, %dma_wait3A_96] : memref<100000x2048xf32, #tpu.memory_space<hbm>> -> memref<100000x2048xf32, #tpu.memory_space<hbm>>
      tpu.wait_indirect_dma semaphore(%arg12 : memref<!tpu.dma_semaphore, #tpu.memory_space<semaphore_mem>>) src(%dma_wait3A_97 : memref<100000x2048xf32, #tpu.memory_space<hbm>>) dst(%arg8 : memref<8x2048xf32, #tpu.memory_space<vmem>>)
      %add3A_98 = arith.constant 2 : i32
      %add3A_99 = arith.addi %add3A_64, %add3A_98 : i32
      %mul3A_100 = arith.constant 8 : i32
      %mul3A_101 = arith.muli %add3A_99, %mul3A_100 : i32
      %add3A_102 = arith.addi %mul3A_2, %mul3A_101 : i32
      %dma_start3A_103 = arith.constant 0 : i32
      %dma_start3A_104 = tpu.memref_slice %arg4[%add3A_102, %dma_start3A_103] : memref<8192x2048xf32, #tpu.memory_space<hbm>> -> memref<8x2048xf32, #tpu.memory_space<hbm>>
      %dma_start3A_105 = arith.constant 0 : i32
      %dma_start3A_106 = tpu.memref_slice %arg4[%add3A_102, %dma_start3A_105] : memref<8192x2048xf32, #tpu.memory_space<hbm>> -> memref<8x2048xf32, #tpu.memory_space<hbm>>
      tpu.enqueue_dma source(%arg8 : memref<8x2048xf32, #tpu.memory_space<vmem>>) target(%dma_start3A_106 : memref<8x2048xf32, #tpu.memory_space<hbm>>) target_semaphore(%arg16 : memref<!tpu.dma_semaphore, #tpu.memory_space<semaphore_mem>>)
      %dma_wait3A_107 = arith.constant 0 : i32
      %dma_wait3A_108 = tpu.memref_slice %arg5[%dma_wait3A_107] : memref<256xi32, #tpu.memory_space<vmem>> -> memref<8xi32, #tpu.memory_space<vmem>>
      %dma_wait3A_109 = arith.constant 0 : i32
      %dma_wait3A_110 = arith.constant 0 : i32
      %dma_wait3A_111 = tpu.memref_slice %arg3[%dma_wait3A_109, %dma_wait3A_110] : memref<100000x2048xf32, #tpu.memory_space<hbm>> -> memref<100000x2048xf32, #tpu.memory_space<hbm>>
      tpu.wait_indirect_dma semaphore(%arg13 : memref<!tpu.dma_semaphore, #tpu.memory_space<semaphore_mem>>) src(%dma_wait3A_111 : memref<100000x2048xf32, #tpu.memory_space<hbm>>) dst(%arg9 : memref<8x2048xf32, #tpu.memory_space<vmem>>)
      %add3A_112 = arith.constant 3 : i32
      %add3A_113 = arith.addi %add3A_64, %add3A_112 : i32
      %mul3A_114 = arith.constant 8 : i32
      %mul3A_115 = arith.muli %add3A_113, %mul3A_114 : i32
      %add3A_116 = arith.addi %mul3A_2, %mul3A_115 : i32
      %dma_start3A_117 = arith.constant 0 : i32
      %dma_start3A_118 = tpu.memref_slice %arg4[%add3A_116, %dma_start3A_117] : memref<8192x2048xf32, #tpu.memory_space<hbm>> -> memref<8x2048xf32, #tpu.memory_space<hbm>>
      %dma_start3A_119 = arith.constant 0 : i32
      %dma_start3A_120 = tpu.memref_slice %arg4[%add3A_116, %dma_start3A_119] : memref<8192x2048xf32, #tpu.memory_space<hbm>> -> memref<8x2048xf32, #tpu.memory_space<hbm>>
      tpu.enqueue_dma source(%arg9 : memref<8x2048xf32, #tpu.memory_space<vmem>>) target(%dma_start3A_120 : memref<8x2048xf32, #tpu.memory_space<hbm>>) target_semaphore(%arg17 : memref<!tpu.dma_semaphore, #tpu.memory_space<semaphore_mem>>)
      %add3A_121 = arith.constant 4 : i32
      %add3A_122 = arith.addi %add3A_64, %add3A_121 : i32
      %add3A_123 = arith.constant 0 : i32
      %add3A_124 = arith.addi %add3A_122, %add3A_123 : i32
      %lt3A = arith.constant 32 : i32
      %lt3A_125 = arith.cmpi slt, %add3A_124, %lt3A : i32
      %convert_element_type3A = arith.extui %lt3A_125 : i1 to i32
      %cond3A = arith.constant 0 : i32
      %cond3A_126 = arith.cmpi ne, %convert_element_type3A, %cond3A : i32
      scf.if %cond3A_126 {
        %dma_wait3A_154 = arith.constant 0 : i32
        %dma_wait3A_155 = tpu.memref_slice %arg4[%mul3A_2, %dma_wait3A_154] : memref<8192x2048xf32, #tpu.memory_space<hbm>> -> memref<8x2048xf32, #tpu.memory_space<hbm>>
        %dma_wait3A_156 = arith.constant 0 : i32
        %dma_wait3A_157 = tpu.memref_slice %arg4[%mul3A_2, %dma_wait3A_156] : memref<8192x2048xf32, #tpu.memory_space<hbm>> -> memref<8x2048xf32, #tpu.memory_space<hbm>>
        tpu.wait_dma2 semaphore(%arg14 : memref<!tpu.dma_semaphore, #tpu.memory_space<semaphore_mem>>) src(%arg6 : memref<8x2048xf32, #tpu.memory_space<vmem>>) dst(%dma_wait3A_157 : memref<8x2048xf32, #tpu.memory_space<hbm>>)
        %add3A_158 = arith.constant 4 : i32
        %add3A_159 = arith.addi %add3A_64, %add3A_158 : i32
        %add3A_160 = arith.constant 0 : i32
        %add3A_161 = arith.addi %add3A_159, %add3A_160 : i32
        %mul3A_162 = arith.constant 8 : i32
        %mul3A_163 = arith.muli %add3A_161, %mul3A_162 : i32
        %dma_start3A_164 = tpu.memref_slice %arg5[%mul3A_163] : memref<256xi32, #tpu.memory_space<vmem>> -> memref<8xi32, #tpu.memory_space<vmem>>
        %dma_start3A_165 = arith.constant 0 : i32
        %dma_start3A_166 = arith.constant 0 : i32
        %dma_start3A_167 = tpu.memref_slice %arg3[%dma_start3A_165, %dma_start3A_166] : memref<100000x2048xf32, #tpu.memory_space<hbm>> -> memref<100000x2048xf32, #tpu.memory_space<hbm>>
        tpu.enqueue_indirect_dma source(%dma_start3A_167 : memref<100000x2048xf32, #tpu.memory_space<hbm>>) target(%arg6 : memref<8x2048xf32, #tpu.memory_space<vmem>>) offsets(%dma_start3A_164 : memref<8xi32, #tpu.memory_space<vmem>>) semaphore(%arg10 : memref<!tpu.dma_semaphore, #tpu.memory_space<semaphore_mem>>)
      } else {
      }
      %add3A_127 = arith.constant 4 : i32
      %add3A_128 = arith.addi %add3A_64, %add3A_127 : i32
      %add3A_129 = arith.constant 1 : i32
      %add3A_130 = arith.addi %add3A_128, %add3A_129 : i32
      %lt3A_131 = arith.constant 32 : i32
      %lt3A_132 = arith.cmpi slt, %add3A_130, %lt3A_131 : i32
      %convert_element_type3A_133 = arith.extui %lt3A_132 : i1 to i32
      %cond3A_134 = arith.constant 0 : i32
      %cond3A_135 = arith.cmpi ne, %convert_element_type3A_133, %cond3A_134 : i32
      scf.if %cond3A_135 {
        %dma_wait3A_154 = arith.constant 0 : i32
        %dma_wait3A_155 = tpu.memref_slice %arg4[%mul3A_2, %dma_wait3A_154] : memref<8192x2048xf32, #tpu.memory_space<hbm>> -> memref<8x2048xf32, #tpu.memory_space<hbm>>
        %dma_wait3A_156 = arith.constant 0 : i32
        %dma_wait3A_157 = tpu.memref_slice %arg4[%mul3A_2, %dma_wait3A_156] : memref<8192x2048xf32, #tpu.memory_space<hbm>> -> memref<8x2048xf32, #tpu.memory_space<hbm>>
        tpu.wait_dma2 semaphore(%arg15 : memref<!tpu.dma_semaphore, #tpu.memory_space<semaphore_mem>>) src(%arg7 : memref<8x2048xf32, #tpu.memory_space<vmem>>) dst(%dma_wait3A_157 : memref<8x2048xf32, #tpu.memory_space<hbm>>)
        %add3A_158 = arith.constant 4 : i32
        %add3A_159 = arith.addi %add3A_64, %add3A_158 : i32
        %add3A_160 = arith.constant 1 : i32
        %add3A_161 = arith.addi %add3A_159, %add3A_160 : i32
        %mul3A_162 = arith.constant 8 : i32
        %mul3A_163 = arith.muli %add3A_161, %mul3A_162 : i32
        %dma_start3A_164 = tpu.memref_slice %arg5[%mul3A_163] : memref<256xi32, #tpu.memory_space<vmem>> -> memref<8xi32, #tpu.memory_space<vmem>>
        %dma_start3A_165 = arith.constant 0 : i32
        %dma_start3A_166 = arith.constant 0 : i32
        %dma_start3A_167 = tpu.memref_slice %arg3[%dma_start3A_165, %dma_start3A_166] : memref<100000x2048xf32, #tpu.memory_space<hbm>> -> memref<100000x2048xf32, #tpu.memory_space<hbm>>
        tpu.enqueue_indirect_dma source(%dma_start3A_167 : memref<100000x2048xf32, #tpu.memory_space<hbm>>) target(%arg7 : memref<8x2048xf32, #tpu.memory_space<vmem>>) offsets(%dma_start3A_164 : memref<8xi32, #tpu.memory_space<vmem>>) semaphore(%arg11 : memref<!tpu.dma_semaphore, #tpu.memory_space<semaphore_mem>>)
      } else {
      }
      %add3A_136 = arith.constant 4 : i32
      %add3A_137 = arith.addi %add3A_64, %add3A_136 : i32
      %add3A_138 = arith.constant 2 : i32
      %add3A_139 = arith.addi %add3A_137, %add3A_138 : i32
      %lt3A_140 = arith.constant 32 : i32
      %lt3A_141 = arith.cmpi slt, %add3A_139, %lt3A_140 : i32
      %convert_element_type3A_142 = arith.extui %lt3A_141 : i1 to i32
      %cond3A_143 = arith.constant 0 : i32
      %cond3A_144 = arith.cmpi ne, %convert_element_type3A_142, %cond3A_143 : i32
      scf.if %cond3A_144 {
        %dma_wait3A_154 = arith.constant 0 : i32
        %dma_wait3A_155 = tpu.memref_slice %arg4[%mul3A_2, %dma_wait3A_154] : memref<8192x2048xf32, #tpu.memory_space<hbm>> -> memref<8x2048xf32, #tpu.memory_space<hbm>>
        %dma_wait3A_156 = arith.constant 0 : i32
        %dma_wait3A_157 = tpu.memref_slice %arg4[%mul3A_2, %dma_wait3A_156] : memref<8192x2048xf32, #tpu.memory_space<hbm>> -> memref<8x2048xf32, #tpu.memory_space<hbm>>
        tpu.wait_dma2 semaphore(%arg16 : memref<!tpu.dma_semaphore, #tpu.memory_space<semaphore_mem>>) src(%arg8 : memref<8x2048xf32, #tpu.memory_space<vmem>>) dst(%dma_wait3A_157 : memref<8x2048xf32, #tpu.memory_space<hbm>>)
        %add3A_158 = arith.constant 4 : i32
        %add3A_159 = arith.addi %add3A_64, %add3A_158 : i32
        %add3A_160 = arith.constant 2 : i32
        %add3A_161 = arith.addi %add3A_159, %add3A_160 : i32
        %mul3A_162 = arith.constant 8 : i32
        %mul3A_163 = arith.muli %add3A_161, %mul3A_162 : i32
        %dma_start3A_164 = tpu.memref_slice %arg5[%mul3A_163] : memref<256xi32, #tpu.memory_space<vmem>> -> memref<8xi32, #tpu.memory_space<vmem>>
        %dma_start3A_165 = arith.constant 0 : i32
        %dma_start3A_166 = arith.constant 0 : i32
        %dma_start3A_167 = tpu.memref_slice %arg3[%dma_start3A_165, %dma_start3A_166] : memref<100000x2048xf32, #tpu.memory_space<hbm>> -> memref<100000x2048xf32, #tpu.memory_space<hbm>>
        tpu.enqueue_indirect_dma source(%dma_start3A_167 : memref<100000x2048xf32, #tpu.memory_space<hbm>>) target(%arg8 : memref<8x2048xf32, #tpu.memory_space<vmem>>) offsets(%dma_start3A_164 : memref<8xi32, #tpu.memory_space<vmem>>) semaphore(%arg12 : memref<!tpu.dma_semaphore, #tpu.memory_space<semaphore_mem>>)
      } else {
      }
      %add3A_145 = arith.constant 4 : i32
      %add3A_146 = arith.addi %add3A_64, %add3A_145 : i32
      %add3A_147 = arith.constant 3 : i32
      %add3A_148 = arith.addi %add3A_146, %add3A_147 : i32
      %lt3A_149 = arith.constant 32 : i32
      %lt3A_150 = arith.cmpi slt, %add3A_148, %lt3A_149 : i32
      %convert_element_type3A_151 = arith.extui %lt3A_150 : i1 to i32
      %cond3A_152 = arith.constant 0 : i32
      %cond3A_153 = arith.cmpi ne, %convert_element_type3A_151, %cond3A_152 : i32
      scf.if %cond3A_153 {
        %dma_wait3A_154 = arith.constant 0 : i32
        %dma_wait3A_155 = tpu.memref_slice %arg4[%mul3A_2, %dma_wait3A_154] : memref<8192x2048xf32, #tpu.memory_space<hbm>> -> memref<8x2048xf32, #tpu.memory_space<hbm>>
        %dma_wait3A_156 = arith.constant 0 : i32
        %dma_wait3A_157 = tpu.memref_slice %arg4[%mul3A_2, %dma_wait3A_156] : memref<8192x2048xf32, #tpu.memory_space<hbm>> -> memref<8x2048xf32, #tpu.memory_space<hbm>>
        tpu.wait_dma2 semaphore(%arg17 : memref<!tpu.dma_semaphore, #tpu.memory_space<semaphore_mem>>) src(%arg9 : memref<8x2048xf32, #tpu.memory_space<vmem>>) dst(%dma_wait3A_157 : memref<8x2048xf32, #tpu.memory_space<hbm>>)
        %add3A_158 = arith.constant 4 : i32
        %add3A_159 = arith.addi %add3A_64, %add3A_158 : i32
        %add3A_160 = arith.constant 3 : i32
        %add3A_161 = arith.addi %add3A_159, %add3A_160 : i32
        %mul3A_162 = arith.constant 8 : i32
        %mul3A_163 = arith.muli %add3A_161, %mul3A_162 : i32
        %dma_start3A_164 = tpu.memref_slice %arg5[%mul3A_163] : memref<256xi32, #tpu.memory_space<vmem>> -> memref<8xi32, #tpu.memory_space<vmem>>
        %dma_start3A_165 = arith.constant 0 : i32
        %dma_start3A_166 = arith.constant 0 : i32
        %dma_start3A_167 = tpu.memref_slice %arg3[%dma_start3A_165, %dma_start3A_166] : memref<100000x2048xf32, #tpu.memory_space<hbm>> -> memref<100000x2048xf32, #tpu.memory_space<hbm>>
        tpu.enqueue_indirect_dma source(%dma_start3A_167 : memref<100000x2048xf32, #tpu.memory_space<hbm>>) target(%arg9 : memref<8x2048xf32, #tpu.memory_space<vmem>>) offsets(%dma_start3A_164 : memref<8xi32, #tpu.memory_space<vmem>>) semaphore(%arg13 : memref<!tpu.dma_semaphore, #tpu.memory_space<semaphore_mem>>)
      } else {
      }
    }
    %scan3A_44 = arith.constant 8 : i32
    %dma_wait3A = arith.constant 0 : i32
    %dma_wait3A_45 = tpu.memref_slice %arg4[%mul3A_2, %dma_wait3A] : memref<8192x2048xf32, #tpu.memory_space<hbm>> -> memref<8x2048xf32, #tpu.memory_space<hbm>>
    %dma_wait3A_46 = arith.constant 0 : i32
    %dma_wait3A_47 = tpu.memref_slice %arg4[%mul3A_2, %dma_wait3A_46] : memref<8192x2048xf32, #tpu.memory_space<hbm>> -> memref<8x2048xf32, #tpu.memory_space<hbm>>
    tpu.wait_dma2 semaphore(%arg14 : memref<!tpu.dma_semaphore, #tpu.memory_space<semaphore_mem>>) src(%arg6 : memref<8x2048xf32, #tpu.memory_space<vmem>>) dst(%dma_wait3A_47 : memref<8x2048xf32, #tpu.memory_space<hbm>>)
    %dma_wait3A_48 = arith.constant 0 : i32
    %dma_wait3A_49 = tpu.memref_slice %arg4[%mul3A_2, %dma_wait3A_48] : memref<8192x2048xf32, #tpu.memory_space<hbm>> -> memref<8x2048xf32, #tpu.memory_space<hbm>>
    %dma_wait3A_50 = arith.constant 0 : i32
    %dma_wait3A_51 = tpu.memref_slice %arg4[%mul3A_2, %dma_wait3A_50] : memref<8192x2048xf32, #tpu.memory_space<hbm>> -> memref<8x2048xf32, #tpu.memory_space<hbm>>
    tpu.wait_dma2 semaphore(%arg15 : memref<!tpu.dma_semaphore, #tpu.memory_space<semaphore_mem>>) src(%arg7 : memref<8x2048xf32, #tpu.memory_space<vmem>>) dst(%dma_wait3A_51 : memref<8x2048xf32, #tpu.memory_space<hbm>>)
    %dma_wait3A_52 = arith.constant 0 : i32
    %dma_wait3A_53 = tpu.memref_slice %arg4[%mul3A_2, %dma_wait3A_52] : memref<8192x2048xf32, #tpu.memory_space<hbm>> -> memref<8x2048xf32, #tpu.memory_space<hbm>>
    %dma_wait3A_54 = arith.constant 0 : i32
    %dma_wait3A_55 = tpu.memref_slice %arg4[%mul3A_2, %dma_wait3A_54] : memref<8192x2048xf32, #tpu.memory_space<hbm>> -> memref<8x2048xf32, #tpu.memory_space<hbm>>
    tpu.wait_dma2 semaphore(%arg16 : memref<!tpu.dma_semaphore, #tpu.memory_space<semaphore_mem>>) src(%arg8 : memref<8x2048xf32, #tpu.memory_space<vmem>>) dst(%dma_wait3A_55 : memref<8x2048xf32, #tpu.memory_space<hbm>>)
    %dma_wait3A_56 = arith.constant 0 : i32
    %dma_wait3A_57 = tpu.memref_slice %arg4[%mul3A_2, %dma_wait3A_56] : memref<8192x2048xf32, #tpu.memory_space<hbm>> -> memref<8x2048xf32, #tpu.memory_space<hbm>>
    %dma_wait3A_58 = arith.constant 0 : i32
    %dma_wait3A_59 = tpu.memref_slice %arg4[%mul3A_2, %dma_wait3A_58] : memref<8192x2048xf32, #tpu.memory_space<hbm>> -> memref<8x2048xf32, #tpu.memory_space<hbm>>
    tpu.wait_dma2 semaphore(%arg17 : memref<!tpu.dma_semaphore, #tpu.memory_space<semaphore_mem>>) src(%arg9 : memref<8x2048xf32, #tpu.memory_space<vmem>>) dst(%dma_wait3A_59 : memref<8x2048xf32, #tpu.memory_space<hbm>>)
    return
  }
}

</mosaic_0001>

<sc_bundles>
// kernel: _sc_gather.3.cloned.1.call-start
scs
__scs_entry_jumppad:
0x0: {  	(pc) =	sbr.rel $0x88, $3  }
0x1: {  	(tag) =	ssettag $0x0;
	lr =	simm.s32 $0x1  }
0x2: {  	[smem:$0x3F9F] =	sst lr;
	_ =	strace $0xD0000000  }
0x3: {  	_ = 	snop  }
0x4: {  	_ = 	snop  }
0x5: {  	_ = 	snop  }
0x6: {  	_ = 	snop  }
0x7: {  	_ = 	snop  }
__scs_overlays_trampoline_lowered:
0x8: {  	[smem:$0x3FAE] =	sst s0  }
0x9: {  	[smem:$0x3FAF] =	sst s1  }
0xa: {  	[smem:$0x3FB0] =	sst s2  }
0xb: {  	[smem:$0x3FB1] =	sst s3  }
0xc: {  	[smem:$0x3FB2] =	sst s4  }
0xd: {  	[smem:$0x3FB3] =	sst s5  }
0xe: {  	[smem:$0x3FB4] =	sst s6  }
0xf: {  	[smem:$0x3FB5] =	sst s7  }
0x10: {  	[smem:$0x3FB6] =	sst s8  }
0x11: {  	[smem:$0x3FB7] =	sst s9;
	s0 =	simm.s32 @!p0 $0x0  }
0x12: {  	s1 =	sld [smem:$0x3F9D];
	s0 =	simm.s32 @p0 $0x1  }
0x13: {  	[smem:$0x3FB8] =	sst s0;
	s0 =	simm.s32 @!p1 $0x0  }
0x14: {  	s2 =	sld [smem:$0x3F9C];
	s0 =	simm.s32 @p1 $0x1  }
0x15: {  	[smem:$0x3FB9] =	sst s0;
	s0 =	simm.s32 @!p2 $0x0  }
0x16: {  	s3 =	sld [smem:$0x3FDB];
	s0 =	simm.s32 @p2 $0x1  }
0x17: {  	s4 =	simm.s32 $0x1BF5;
	[smem:$0x3FBB] =	sst s0  }
0x18: {  	s0 =	sld [smem:$0x3F9E];
	_ =	swait.ge [sflag:s4], $0x0  }
0x19: {  	s7 =	sld [smem:$0x3F9F]  }
0x1a: {  	s8 =	sadd.s32 $0xFFFFE003, lr  }
0x1b: {  	s9 =	sadd.s32 $0xFFFFFEF7, lr;
	s5 =	simm.s32 $0xFFFFFFFF;
	p2 =	slt.u32 s8, $0xFFFFF086  }
0x1c: {  	p1 =	slt.u32 s9, $0xF7A;
	s5 =	simm.s32 @!p2 $0x0  }
0x1d: {  	s5 =	simm.s32 @p1 $0x1;
	p0 =	seq.s32 s7, s2  }
0x1e: {  	s7 =	smul.u32 @!p0 $0xF7A, s2;
	p2 =	seq.s32 @!p0 s5, $0x0  }
0x1f: {  	s9 =	smul.u32 $0xF7A, s1;
	s8 =	simm.s32 @!p0 $0x1BF5;
	p2 =	por !p2, p0  }
0x20: {  	[sflag:s8] =	ssyncset.s32 @!p0 $0xFFFFF086;
	s6 =	sadd.s32 @!p0 s3, s7;
	s7 =	simm.s32 @!p0 $0x108  }
0x21: {  	s3 =	sadd.s32 s3, s9;
	s6 =	sadd.s32 @!p0 $0x88, s6;
	s7 =	simm.s32 @p2 $0x1082  }
0x22: {  	[simem:s7], [sflag:s8] =	dma.local @!p0 [hbm:s6], $0xF7A  }
0x23: {  	s9 =	sor.u32 $0xD0000000, s2;
	s6 =	simm.s32 $0x108;
	_ =	swait.ge @!p0 [sflag:s8], $0x0  }
0x24: {  	s3 =	sadd.s32 $0x88, s3;
	s6 =	simm.s32 @!p1 $0x1082;
	[sflag:s4] =	ssyncset.s32 $0xFFFFF086  }
0x25: {  	[simem:s6], [sflag:s4] =	dma.local [hbm:s3], $0xF7A  }
0x26: {  	[smem:$0x3F9F] =	sst s1;
	(tag) =	ssettag s2;
	_ =	strace s9  }
0x27: {  	s1 =	sld [smem:$0x3FAF]  }
0x28: {  	s2 =	sld [smem:$0x3FB0]  }
0x29: {  	s4 =	sld [smem:$0x3FB2]  }
0x2a: {  	p0 =	seq.s32 s5, $0x0;
	s5 =	sld [smem:$0x3FB3]  }
0x2b: {  	s6 =	sld [smem:$0x3FB4]  }
0x2c: {  	s7 =	sld [smem:$0x3FB5]  }
0x2d: {  	s3 =	simm.s32 $0x108;
	s8 =	sld [smem:$0x3FB6]  }
0x2e: {  	s3 =	simm.s32 @!p0 $0x1082;
	s9 =	sld [smem:$0x3FB7]  }
0x2f: {  	lr =	sadd.s32 s0, s3;
	s0 =	sld [smem:$0x3FAE]  }
0x30: {  	s3 =	sld [smem:$0x3FB1]  }
0x31: {  	[smem:$0x3FBA] =	sst s10  }
0x32: {  	s10 =	sld [smem:$0x3FB8];
	_ =	sdelay $0x3  }
0x33: {  	p0 =	seq.s32 s10, $0x1;
	s10 =	sld [smem:$0x3FBA];
	_ =	sdelay $0x3  }
0x34: {  	[smem:$0x3FBA] =	sst s10  }
0x35: {  	s10 =	sld [smem:$0x3FB9];
	_ =	sdelay $0x3  }
0x36: {  	p1 =	seq.s32 s10, $0x1;
	s10 =	sld [smem:$0x3FBA];
	_ =	sdelay $0x3  }
0x37: {  	[smem:$0x3FBA] =	sst s10  }
0x38: {  	s10 =	sld [smem:$0x3FBB]  }
0x39: {  	_ = 	snop;
	(pc) =	sbr.ind lr, $3  }
0x3a: {  	_ = 	snop  }
0x3b: {  	_ = 	snop  }
0x3c: {  	p2 =	seq.s32 s10, $0x1;
	s10 =	sld [smem:$0x3FBA]  }
0x3d: {  	_ =	shalt  }
0x3e: {  	_ =	shalt  }
0x3f: {  	_ =	shalt  }
0x40: {  	_ =	shalt  }
0x41: {  	_ =	shalt  }
0x42: {  	_ =	shalt  }
0x43: {  	_ =	shalt  }
0x44: {  	_ =	shalt  }
0x45: {  	_ =	shalt  }
0x46: {  	_ =	shalt  }
0x47: {  	_ =	shalt  }
0x48: {  	_ =	shalt  }
0x49: {  	_ =	shalt  }
0x4a: {  	_ =	shalt  }
0x4b: {  	_ =	shalt  }
0x4c: {  	_ =	shalt  }
0x4d: {  	_ =	shalt  }
0x4e: {  	_ =	shalt  }
0x4f: {  	_ =	shalt  }
0x50: {  	_ =	shalt  }
0x51: {  	_ =	shalt  }
0x52: {  	_ =	shalt  }
0x53: {  	_ =	shalt  }
0x54: {  	_ =	shalt  }
0x55: {  	_ =	shalt  }
0x56: {  	_ =	shalt  }
0x57: {  	_ =	shalt  }
0x58: {  	_ =	shalt  }
0x59: {  	_ =	shalt  }
0x5a: {  	_ =	shalt  }
0x5b: {  	_ =	shalt  }
0x5c: {  	_ =	shalt  }
0x5d: {  	_ =	shalt  }
0x5e: {  	_ =	shalt  }
0x5f: {  	_ =	shalt  }
0x60: {  	_ =	shalt  }
0x61: {  	_ =	shalt  }
0x62: {  	_ =	shalt  }
0x63: {  	_ =	shalt  }
0x64: {  	_ =	shalt  }
0x65: {  	_ =	shalt  }
0x66: {  	_ =	shalt  }
0x67: {  	_ =	shalt  }
0x68: {  	_ =	shalt  }
0x69: {  	_ =	shalt  }
0x6a: {  	_ =	shalt  }
0x6b: {  	_ =	shalt  }
0x6c: {  	_ =	shalt  }
0x6d: {  	_ =	shalt  }
0x6e: {  	_ =	shalt  }
0x6f: {  	_ =	shalt  }
0x70: {  	_ =	shalt  }
0x71: {  	_ =	shalt  }
0x72: {  	_ =	shalt  }
0x73: {  	_ =	shalt  }
0x74: {  	_ =	shalt  }
0x75: {  	_ =	shalt  }
0x76: {  	_ =	shalt  }
0x77: {  	_ =	shalt  }
0x78: {  	_ =	shalt  }
0x79: {  	_ =	shalt  }
0x7a: {  	_ =	shalt  }
0x7b: {  	_ =	shalt  }
0x7c: {  	_ =	shalt  }
0x7d: {  	_ =	shalt  }
0x7e: {  	_ =	shalt  }
0x7f: {  	_ =	shalt  }
0x80: {  	_ =	shalt  }
0x81: {  	_ =	shalt  }
0x82: {  	_ =	shalt  }
0x83: {  	_ =	shalt  }
0x84: {  	_ =	shalt  }
0x85: {  	_ =	shalt  }
0x86: {  	_ =	shalt  }
0x87: {  	_ =	shalt  }
.Lfunc_end0:
.L_simem_size_0:
called_computation_lowered:
.L_overlay_start_0:
0x88: {  	s2 =	sld [smem:$0x3FD9]  }
0x89: {  	s3 =	sld [smem:$0x3FFE];
	_ =	sdelay $0x1  }
0x8a: {  	s1 =	srdreg.scid  }
0x8b: {  	s0 =	sand.u32 $0x1, s1  }
0x8c: {  	s18 =	sshll.u32 s0, $0xA;
	s2 =	sadd.s32 s3, s2  }
0x8d: {  	s2 =	sadd.s32 s2, s18  }
0x8e: {  	[smem:$0x3FC6] =	sst s2  }
0x8f: {  	_ = 	snop  }
0x90: {  	s2 =	sld [smem:$0x3FC9]  }
0x91: {  	s19 =	sld [smem:$0x3FC8]  }
0x92: {  	s4 =	sld [smem:$0x3FD0];
	(tm) =	ssettm $0x1  }
0x93: {  	s5 =	sld [smem:$0x3FFB];
	_ =	sdelay $0x3  }
0x94: {  	_ =	strace s5  }
0x95: {  	s5 =	sld [smem:$0x3FFC];
	_ =	sdelay $0x3  }
0x96: {  	_ =	strace s5  }
0x97: {  	s5 =	sld [smem:$0x3FFD];
	_ =	sdelay $0x3  }
0x98: {  	_ =	strace s5  }
0x99: {  	_ =	strace $0x8FFFFFFF  }
0x9a: {  	s20 =	sld [smem:$0x3FDB];
	_ =	sdelay $0x1  }
0x9b: {  	s6 =	simm.s32 $_scs_section_size  }
0x9c: {  	s7 =	simm.s32 $_size__tile_overlayer_lowered;
	s8 =	simm.s32 $_tile_overlayer_lowered  }
0x9d: {  	s23 =	simm.s32 $0x1BFF;
	s22 =	sshll.u32 s8, $0x1;
	s5 =	sadd.s32 s6, s20  }
0x9e: {  	s9 =	simm.s32 $0x0;
	s21 =	sshll.u32 s7, $0x1;
	s7 =	sadd.s32 s22, s5  }
0x9f: {  	[timem:s9], [sflag:s23] =	dma.local [hbm:s7], s21  }
0xa0: {  	_ =	swait.ge [sflag:s23], s21  }
0xa1: {  	s6 =	ssub.s32 $0x0, s21;
	[sflag:s23] =	ssyncset.done $0x0  }
0xa2: {  	[sflag:s23] =	ssyncadd.s32 s6;
	_ =	sdelay $0x1  }
0xa3: {  	s24 =	simm.s32 $0x1B8B  }
0xa4: {  	_ =	swait.ge [sflag:s24], $0x1  }
0xa5: {  	[sflag:s24] =	ssyncset.done $0x0  }
0xa6: {  	s25 =	simm.s32 $0x1B8E;
	[sflag:s24] =	ssyncadd.s32 $0xFFFFFFFF  }
0xa7: {  	s26 =	simm.s32 $execute0_lowered;
	[smem:$0x3FD2] =	sst s25  }
0xa8: {  	s6 =	sshll.u32 s26, $0x1;
	_ =	strace $0x80000046;
	[dreg:$0x1] =	wrdreg $0xFFFFFFFF  }
0xa9: {  	s28 =	simm.s32 $_size_execute0_lowered;
	s5 =	sadd.s32 s5, s6;
	[dreg:$0x0] =	wrdreg $0x0  }
0xaa: {  	s6 =	sshll.u32 s28, $0x1;
	[dreg:$0x2] =	wrdreg s5  }
0xab: {  	[dreg:$0x3] =	wrdreg s6  }
0xac: {  	[dreg:$0x4] =	wrdreg $0xC0  }
0xad: {  	_ =	task [dreg:s9], $0x5FFFF  }
0xae: {  	[dreg:$0x1] =	wrdreg $0xFFFFFFFF  }
0xaf: {  	[dreg:$0x0] =	wrdreg $0x60  }
0xb0: {  	[dreg:$0x2] =	wrdreg s2  }
0xb1: {  	[dreg:$0x3] =	wrdreg s19  }
0xb2: {  	[dreg:$0x4] =	wrdreg s4  }
0xb3: {  	[dreg:$0x5] =	wrdreg $0x9  }
0xb4: {  	_ =	task.clear_ibuf [dreg:s9], $0x6FFFF;
	_ =	strace $0x90000046  }
0xb5: {  	s29 =	simm.s32 $0x9;
	_ =	strace $0x80000048  }
0xb6: {  	_ =	swait.ge [sflag:s29], $0x1  }
0xb7: {  	[sflag:s29] =	ssyncadd.s32 $0xFFFFFFFF  }
0xb8: {  	_ =	strace $0x90000048  }
0xb9: {  	_ =	sfence  }
0xba: {  	s30 =	sld [smem:$0x0];
	_ =	sdelay $0x2  }
0xbb: {  	s31 =	sshll.u32 s1, $0xD;
	s1 =	sshrl.u32 s1, $0x2  }
0xbc: {  	s3 =	sand.u32 $0x4000, s31;
	s1 =	sadd.s32 s1, s30  }
0xbd: {  	s0 =	sor.u32 s3, s0;
	s1 =	sshll.u32 s1, $0x11  }
0xbe: {  	s0 =	sor.u32 s1, s0  }
0xbf: {  	s0 =	sadd.s32 $0x8F2B, s0  }
0xc0: {  	[sflag:s0] =	ssyncadd.remote.s32 $0x1  }
0xc1: {  	_ =	sfence.sel $0xFFFF  }
0xc2: {  	[dreg:$0x0] =	wrdreg $0xFFFFFFFF;
	(pc) =	sbr.abs _section_cstart, $3  }
0xc3: {  	[dreg:$0x1] =	wrdreg $0xFFFFFFFF  }
0xc4: {  	_ =	task.clear_ibuf [dreg:s9], $0x2FFFF;
	_ =	strace $0x9FFFFFFF  }
0xc5: {  	(tm) =	ssettm $0x7FFFFFFF  }
tec
execute0_lowered:
.L_overlay_start_1:
0x0: {  	(tag) =	ssettag $0x1  }
0x1: {  	s0 =	srdreg.scid;
	s5 =	rddreg [dreg:$0x0]  }
0x2: {  	s15 =	stileid.u32;
	s4 =	simm.s32 $0x1;
	s13 =	rddreg [dreg:$0x2]  }
0x3: {  	s3 =	simm.s32 $0x0;
	s18 =	simm.s32 $0x100;
	s16 =	simm.s32 $0x8100  }
0x4: {  	s28 =	simm.s32 $0xD900;
	s29 =	simm.s32 $0xE100;
	s30 =	simm.s32 $0xE900  }
0x5: {  	s31 =	simm.s32 $0xF100;
	s17 =	simm.s32 $0x6;
	s19 =	simm.s32 $0x7  }
0x6: {  	s20 =	simm.s32 $0x8;
	s0 =	sand.u32 $0x1, s0;
	s2 =	sshll.u32 s15, $0x8  }
0x7: {  	s22 =	sand.u32 $0x7, s15;
	[smem:$0x7FF] =	sst s3;
	s25 =	sshll.u32 s15, $0x10  }
0x8: {  	s15 =	simm.s32 $0x3;
	s1 =	sshll.u32 s0, $0xC;
	p1 =	sne.s32 s22, $0x0  }
0x9: {  	s23 =	ssub.s32 $0x2, s0;
	s0 =	sshll.u32 s0, $0x14;
	s22 =	simm.s32 $0x0  }
0xa: {  	s1 =	sor.u32 s2, s1;
	s2 =	rddreg [dreg:$0x1];
	s24 =	sshrl.u32 s23, $0x1  }
0xb: {  	_ =	strace $0x80000047;
	s0 =	sadd.s32 s0, s13;
	s13 =	simm.s32 $0x5  }
0xc: {  	p0 =	seq.s32 s1, $0x0;
	s6 =	sshrl.u32 s1, $0xB;
	s1 =	sshll.u32 s1, $0x2  }
0xd: {  	s14 =	ssub.s32 s23, s24;
	s8 =	sadd.s32 $0x300, s2;
	p0 =	por !p1, !p0  }
0xe: {  	s9 =	sadd.s32 $0x400, s2;
	s10 =	sadd.s32 $0x500, s2;
	p0 =	por !p0, !p0  }
0xf: {  	s11 =	sadd.s32 $0x600, s2;
	s12 =	sadd.s32 $0x700, s2;
	s4 =	simm.s32 @!p0 $0x0  }
0x10: {  	s23 =	simm.s32 $0xC100;
	s26 =	smax.u32 s14, $0x1;
	s4 =	ssub.s32 s6, s4  }
0x11: {  	s14 =	sadd.s32 s25, s0;
	s6 =	sshll.u32 s4, $0xB;
	s7 =	sshll.u32 s4, $0xD  }
0x12: {  	s4 =	sshll.u32 s4, $0x7;
	s6 =	sand.u32 $0xFFFFE000, s6;
	s1 =	ssub.s32 s1, s7  }
.Ltmp0:
0x13: {  	s4 =	sand.u32 $0x180, s4;
	s1 =	sadd.s32 s6, s1;
	(pc) =	sbr.rel .LBB2_1-.Ltmp0, $4  }
0x14: {  	s0 =	simm.s32 $0x2;
	[dreg:$0x5] =	wrdreg s26;
	s1 =	sor.u32 s4, s1  }
0x15: {  	v0 =	vlaneseq.u32;
	s26 =	simm.s32 $0x4100;
	s7 =	sadd.s32 $0x200, s2;
	s1 =	sshrl.u32 s1, $0x3  }
0x16: {  	v1 =	vshrl.u32 v0, $0x3;
	s6 =	sadd.s32 $0x100, s2;
	s4 =	simm.s32 $0x1;
	s1 =	sadd.s32 s5, s1  }
0x17: {  	vm0 =	vmmov $0xffff;
	v0 =	vand.u32 $0x7, v0;
	v1 =	vmul.u32 $0x8, v1;
	s5 =	simm.s32 $0x4;
	[dreg:$0x4] =	wrdreg s1;
	s1 =	simm.s32 $0xF900  }
.LBB2_4:
0x18: {  	_ =	swait.ge [sflag:s13], $0x4000  }
0x19: {  	[sflag:s13] =	ssyncset.done $0x0  }
0x1a: {  	[sflag:s13] =	ssyncadd.s32 $0xFFFFC000  }
0x1b: {  	_ =	swait.ge [sflag:s17], $0x4000  }
0x1c: {  	[sflag:s17] =	ssyncset.done $0x0  }
0x1d: {  	[sflag:s17] =	ssyncadd.s32 $0xFFFFC000  }
0x1e: {  	_ =	swait.ge [sflag:s19], $0x4000  }
0x1f: {  	[sflag:s19] =	ssyncset.done $0x0  }
0x20: {  	[sflag:s19] =	ssyncadd.s32 $0xFFFFC000  }
0x21: {  	_ =	swait.ge [sflag:s20], $0x4000  }
0x22: {  	s22 =	rddreg [dreg:$0x6]  }
0x23: {  	s21 =	rddreg [dreg:$0x5];
	s22 =	sadd.s32 $0x1, s22  }
0x24: {  	p0 =	sne.s32 s22, s21  }
.Ltmp1:
0x25: {  	_ = 	snop;
	(pc) =	sbr.rel @!p0 .LBB2_5-.Ltmp1, $3  }
0x26: {  	_ =	sdelay $0x1  }
0x27: {  	[sflag:s20] =	ssyncset.done $0x0  }
0x28: {  	[sflag:s20] =	ssyncadd.s32 $0xFFFFC000  }
.LBB2_1:
0x29: {  	[dreg:$0x6] =	wrdreg s22  }
0x2a: {  	s21 =	rddreg [dreg:$0x4]  }
0x2b: {  	s25 =	simm.s32 $0x80;
	s24 =	simm.s32 $0x200;
	s22 =	simm.s32 $0x9  }
0x2c: {  	[tilespmem:s3], [sflag:$0x9] =	stream.strided.gather [hbm4b:s21+s25], $0x100, s24, s25, $0x38;
	[tilespmem:$0x10100] =	vst v63  }
0x2d: {  	_ =	swait.ge [sflag:s22], $0x100  }
0x2e: {  	[sflag:s22] =	ssyncset.done $0x0  }
0x2f: {  	[sflag:s22] =	ssyncadd.s32 $0xFFFFFF00  }
0x30: {  	v2 =	vld.msk [tilespmem:$0x0], $0xff;
	_ =	sdelay $0x4  }
0x31: {  	v3 =	vshll.u32 v2, $0x4  }
0x32: {  	v2 =	vand.u32 $0x7, v2;
	v3 =	vand.u32 $0xFFFFFF80, v3  }
0x33: {  	v2 =	vor.u32 v2, v3  }
0x34: {  	v2 =	vperm.xlane v2, v0;
	_ =	sdelay $0x1  }
0x35: {  	v2 =	vadd.s32 v1, v2;
	_ =	sdelay $0x4  }
0x36: {  	[tilespmem:s18], [sflag:$0x1] =	stream.indirect_vreg.gather [hbm4b:s2+s3], $0x80, v2, vm0, $0xb8;
	[tilespmem:$0x10100] =	vst v63  }
0x37: {  	s24 =	simm.s32 $0x900  }
0x38: {  	[tilespmem:s24], [sflag:$0x1] =	stream.indirect_vreg.gather [hbm4b:s6+s3], $0x80, v2, vm0, $0xb8;
	[tilespmem:$0x10100] =	vst v63  }
0x39: {  	s25 =	simm.s32 $0x1100  }
0x3a: {  	[tilespmem:s25], [sflag:$0x1] =	stream.indirect_vreg.gather [hbm4b:s7+s3], $0x80, v2, vm0, $0xb8;
	[tilespmem:$0x10100] =	vst v63  }
0x3b: {  	s22 =	simm.s32 $0x1900  }
0x3c: {  	[tilespmem:s22], [sflag:$0x1] =	stream.indirect_vreg.gather [hbm4b:s8+s3], $0x80, v2, vm0, $0xb8;
	[tilespmem:$0x10100] =	vst v63  }
0x3d: {  	s24 =	simm.s32 $0x2100  }
0x3e: {  	[tilespmem:s24], [sflag:$0x1] =	stream.indirect_vreg.gather [hbm4b:s9+s3], $0x80, v2, vm0, $0xb8;
	[tilespmem:$0x10100] =	vst v63  }
0x3f: {  	s25 =	simm.s32 $0x2900  }
0x40: {  	[tilespmem:s25], [sflag:$0x1] =	stream.indirect_vreg.gather [hbm4b:s10+s3], $0x80, v2, vm0, $0xb8;
	[tilespmem:$0x10100] =	vst v63  }
0x41: {  	s22 =	simm.s32 $0x3100  }
0x42: {  	[tilespmem:s22], [sflag:$0x1] =	stream.indirect_vreg.gather [hbm4b:s11+s3], $0x80, v2, vm0, $0xb8;
	[tilespmem:$0x10100] =	vst v63  }
0x43: {  	s24 =	simm.s32 $0x3900  }
0x44: {  	[tilespmem:s24], [sflag:$0x1] =	stream.indirect_vreg.gather [hbm4b:s12+s3], $0x80, v2, vm0, $0xb8;
	[tilespmem:$0x10100] =	vst v63  }
0x45: {  	v2 =	vld.msk [tilespmem:$0x8], $0xff;
	_ =	sdelay $0x4  }
0x46: {  	v3 =	vshll.u32 v2, $0x4  }
0x47: {  	v2 =	vand.u32 $0x7, v2;
	v3 =	vand.u32 $0xFFFFFF80, v3  }
0x48: {  	v2 =	vor.u32 v2, v3  }
0x49: {  	v2 =	vperm.xlane v2, v0;
	_ =	sdelay $0x1  }
0x4a: {  	v2 =	vadd.s32 v1, v2;
	_ =	sdelay $0x4  }
0x4b: {  	[tilespmem:s26], [sflag:$0x2] =	stream.indirect_vreg.gather [hbm4b:s2+s3], $0x80, v2, vm0, $0xb8;
	[tilespmem:$0x10100] =	vst v63  }
0x4c: {  	s25 =	simm.s32 $0x4900  }
0x4d: {  	[tilespmem:s25], [sflag:$0x2] =	stream.indirect_vreg.gather [hbm4b:s6+s3], $0x80, v2, vm0, $0xb8;
	[tilespmem:$0x10100] =	vst v63  }
0x4e: {  	s22 =	simm.s32 $0x5100  }
0x4f: {  	[tilespmem:s22], [sflag:$0x2] =	stream.indirect_vreg.gather [hbm4b:s7+s3], $0x80, v2, vm0, $0xb8;
	[tilespmem:$0x10100] =	vst v63  }
0x50: {  	s24 =	simm.s32 $0x5900  }
0x51: {  	[tilespmem:s24], [sflag:$0x2] =	stream.indirect_vreg.gather [hbm4b:s8+s3], $0x80, v2, vm0, $0xb8;
	[tilespmem:$0x10100] =	vst v63  }
0x52: {  	s25 =	simm.s32 $0x6100  }
0x53: {  	[tilespmem:s25], [sflag:$0x2] =	stream.indirect_vreg.gather [hbm4b:s9+s3], $0x80, v2, vm0, $0xb8;
	[tilespmem:$0x10100] =	vst v63  }
0x54: {  	s22 =	simm.s32 $0x6900  }
0x55: {  	[tilespmem:s22], [sflag:$0x2] =	stream.indirect_vreg.gather [hbm4b:s10+s3], $0x80, v2, vm0, $0xb8;
	[tilespmem:$0x10100] =	vst v63  }
0x56: {  	s24 =	simm.s32 $0x7100  }
0x57: {  	[tilespmem:s24], [sflag:$0x2] =	stream.indirect_vreg.gather [hbm4b:s11+s3], $0x80, v2, vm0, $0xb8;
	[tilespmem:$0x10100] =	vst v63  }
0x58: {  	s25 =	simm.s32 $0x7900  }
0x59: {  	[tilespmem:s25], [sflag:$0x2] =	stream.indirect_vreg.gather [hbm4b:s12+s3], $0x80, v2, vm0, $0xb8;
	[tilespmem:$0x10100] =	vst v63  }
0x5a: {  	v2 =	vld.msk [tilespmem:$0x10], $0xff;
	_ =	sdelay $0x4  }
0x5b: {  	v3 =	vshll.u32 v2, $0x4  }
0x5c: {  	v2 =	vand.u32 $0x7, v2;
	v3 =	vand.u32 $0xFFFFFF80, v3  }
0x5d: {  	v2 =	vor.u32 v2, v3  }
0x5e: {  	v2 =	vperm.xlane v2, v0;
	_ =	sdelay $0x1  }
0x5f: {  	v2 =	vadd.s32 v1, v2;
	_ =	sdelay $0x4  }
0x60: {  	[tilespmem:s16], [sflag:$0x3] =	stream.indirect_vreg.gather [hbm4b:s2+s3], $0x80, v2, vm0, $0xb8;
	[tilespmem:$0x10100] =	vst v63  }
0x61: {  	s22 =	simm.s32 $0x8900  }
0x62: {  	[tilespmem:s22], [sflag:$0x3] =	stream.indirect_vreg.gather [hbm4b:s6+s3], $0x80, v2, vm0, $0xb8;
	[tilespmem:$0x10100] =	vst v63  }
0x63: {  	s24 =	simm.s32 $0x9100  }
0x64: {  	[tilespmem:s24], [sflag:$0x3] =	stream.indirect_vreg.gather [hbm4b:s7+s3], $0x80, v2, vm0, $0xb8;
	[tilespmem:$0x10100] =	vst v63  }
0x65: {  	s25 =	simm.s32 $0x9900  }
0x66: {  	[tilespmem:s25], [sflag:$0x3] =	stream.indirect_vreg.gather [hbm4b:s8+s3], $0x80, v2, vm0, $0xb8;
	[tilespmem:$0x10100] =	vst v63  }
0x67: {  	s22 =	simm.s32 $0xA100  }
0x68: {  	[tilespmem:s22], [sflag:$0x3] =	stream.indirect_vreg.gather [hbm4b:s9+s3], $0x80, v2, vm0, $0xb8;
	[tilespmem:$0x10100] =	vst v63  }
0x69: {  	s24 =	simm.s32 $0xA900  }
0x6a: {  	[tilespmem:s24], [sflag:$0x3] =	stream.indirect_vreg.gather [hbm4b:s10+s3], $0x80, v2, vm0, $0xb8;
	[tilespmem:$0x10100] =	vst v63  }
0x6b: {  	s25 =	simm.s32 $0xB100  }
0x6c: {  	[tilespmem:s25], [sflag:$0x3] =	stream.indirect_vreg.gather [hbm4b:s11+s3], $0x80, v2, vm0, $0xb8;
	[tilespmem:$0x10100] =	vst v63  }
0x6d: {  	s22 =	simm.s32 $0xB900  }
0x6e: {  	[tilespmem:s22], [sflag:$0x3] =	stream.indirect_vreg.gather [hbm4b:s12+s3], $0x80, v2, vm0, $0xb8;
	[tilespmem:$0x10100] =	vst v63  }
0x6f: {  	v2 =	vld.msk [tilespmem:$0x18], $0xff;
	_ =	sdelay $0x4  }
0x70: {  	v3 =	vshll.u32 v2, $0x4  }
0x71: {  	v2 =	vand.u32 $0x7, v2;
	v3 =	vand.u32 $0xFFFFFF80, v3  }
0x72: {  	v2 =	vor.u32 v2, v3  }
0x73: {  	v2 =	vperm.xlane v2, v0;
	_ =	sdelay $0x1  }
0x74: {  	v2 =	vadd.s32 v1, v2;
	_ =	sdelay $0x4  }
0x75: {  	[tilespmem:s23], [sflag:$0x4] =	stream.indirect_vreg.gather [hbm4b:s2+s3], $0x80, v2, vm0, $0xb8;
	[tilespmem:$0x10100] =	vst v63  }
0x76: {  	s24 =	simm.s32 $0xC900  }
0x77: {  	[tilespmem:s24], [sflag:$0x4] =	stream.indirect_vreg.gather [hbm4b:s6+s3], $0x80, v2, vm0, $0xb8;
	[tilespmem:$0x10100] =	vst v63  }
0x78: {  	s25 =	simm.s32 $0xD100  }
0x79: {  	[tilespmem:s25], [sflag:$0x4] =	stream.indirect_vreg.gather [hbm4b:s7+s3], $0x80, v2, vm0, $0xb8;
	[tilespmem:$0x10100] =	vst v63  }
0x7a: {  	_ = 	snop  }
0x7b: {  	[tilespmem:s28], [sflag:$0x4] =	stream.indirect_vreg.gather [hbm4b:s8+s3], $0x80, v2, vm0, $0xb8;
	[tilespmem:$0x10100] =	vst v63  }
0x7c: {  	_ = 	snop  }
0x7d: {  	[tilespmem:s29], [sflag:$0x4] =	stream.indirect_vreg.gather [hbm4b:s9+s3], $0x80, v2, vm0, $0xb8;
	[tilespmem:$0x10100] =	vst v63  }
0x7e: {  	_ = 	snop  }
0x7f: {  	[tilespmem:s30], [sflag:$0x4] =	stream.indirect_vreg.gather [hbm4b:s10+s3], $0x80, v2, vm0, $0xb8;
	[tilespmem:$0x10100] =	vst v63  }
0x80: {  	_ = 	snop  }
0x81: {  	[tilespmem:s31], [sflag:$0x4] =	stream.indirect_vreg.gather [hbm4b:s11+s3], $0x80, v2, vm0, $0xb8;
	[tilespmem:$0x10100] =	vst v63  }
0x82: {  	s21 =	simm.s32 $0x38;
	s22 =	simm.s32 $0x0  }
0x83: {  	[tilespmem:s1], [sflag:$0x4] =	stream.indirect_vreg.gather [hbm4b:s12+s3], $0x80, v2, vm0, $0xb8;
	[tilespmem:$0x10100] =	vst v63  }
.LBB2_2:
0x84: {  	_ =	swait.ge [sflag:s4], $0x4000  }
0x85: {  	[sflag:s4] =	ssyncset.done $0x0  }
0x86: {  	s24 =	sadd.s32 s22, s14;
	[sflag:s4] =	ssyncadd.s32 $0xFFFFC000  }
0x87: {  	[hbm4b:s24+s3] =	stream.linear.scatter [tilespmem:s18], [sflag:$0x5], $0x4000, $0x38;
	[tilespmem:$0x10100] =	vst v63  }
0x88: {  	_ =	swait.ge [sflag:s0], $0x4000  }
0x89: {  	[sflag:s0] =	ssyncset.done $0x0  }
0x8a: {  	s25 =	sadd.s32 $0x800, s24;
	[sflag:s0] =	ssyncadd.s32 $0xFFFFC000  }
0x8b: {  	[hbm4b:s25+s3] =	stream.linear.scatter [tilespmem:s26], [sflag:$0x6], $0x4000, $0x38;
	[tilespmem:$0x10100] =	vst v63  }
0x8c: {  	_ =	swait.ge [sflag:s15], $0x4000  }
0x8d: {  	[sflag:s15] =	ssyncset.done $0x0  }
0x8e: {  	p0 =	seq.s32 s22, $0xE000;
	s25 =	sadd.s32 $0x1000, s24;
	[sflag:s15] =	ssyncadd.s32 $0xFFFFC000  }
0x8f: {  	[hbm4b:s25+s3] =	stream.linear.scatter [tilespmem:s16], [sflag:$0x7], $0x4000, $0x38;
	[tilespmem:$0x10100] =	vst v63  }
.Ltmp2:
0x90: {  	_ = 	snop;
	(pc) =	sbr.rel @p0 .LBB2_4-.Ltmp2, $4  }
0x91: {  	_ =	swait.ge [sflag:s5], $0x4000  }
0x92: {  	[sflag:s5] =	ssyncset.done $0x0  }
0x93: {  	s24 =	sadd.s32 $0x1800, s24;
	[sflag:s5] =	ssyncadd.s32 $0xFFFFC000  }
0x94: {  	[hbm4b:s24+s3] =	stream.linear.scatter [tilespmem:s23], [sflag:$0x8], $0x4000, $0x38;
	[tilespmem:$0x10100] =	vst v63  }
0x95: {  	_ =	swait.ge [sflag:s13], $0x4000  }
0x96: {  	[sflag:s13] =	ssyncset.done $0x0  }
0x97: {  	[sflag:s13] =	ssyncadd.s32 $0xFFFFC000  }
0x98: {  	v2 =	vld.msk [tilespmem:s21+$0xFFFFFFE8], $0xff;
	_ =	sdelay $0x4  }
0x99: {  	v3 =	vshll.u32 v2, $0x4  }
0x9a: {  	v2 =	vand.u32 $0x7, v2;
	v3 =	vand.u32 $0xFFFFFF80, v3  }
0x9b: {  	v2 =	vor.u32 v2, v3  }
0x9c: {  	v2 =	vperm.xlane v2, v0;
	_ =	sdelay $0x1  }
0x9d: {  	v2 =	vadd.s32 v1, v2;
	_ =	sdelay $0x4  }
0x9e: {  	[tilespmem:s18], [sflag:$0x1] =	stream.indirect_vreg.gather [hbm4b:s2+s3], $0x80, v2, vm0, $0xb8;
	[tilespmem:$0x10100] =	vst v63  }
0x9f: {  	s24 =	simm.s32 $0x900  }
0xa0: {  	[tilespmem:s24], [sflag:$0x1] =	stream.indirect_vreg.gather [hbm4b:s6+s3], $0x80, v2, vm0, $0xb8;
	[tilespmem:$0x10100] =	vst v63  }
0xa1: {  	s25 =	simm.s32 $0x1100  }
0xa2: {  	[tilespmem:s25], [sflag:$0x1] =	stream.indirect_vreg.gather [hbm4b:s7+s3], $0x80, v2, vm0, $0xb8;
	[tilespmem:$0x10100] =	vst v63  }
0xa3: {  	s25 =	simm.s32 $0x1900  }
0xa4: {  	[tilespmem:s25], [sflag:$0x1] =	stream.indirect_vreg.gather [hbm4b:s8+s3], $0x80, v2, vm0, $0xb8;
	[tilespmem:$0x10100] =	vst v63  }
0xa5: {  	s25 =	simm.s32 $0x2100  }
0xa6: {  	[tilespmem:s25], [sflag:$0x1] =	stream.indirect_vreg.gather [hbm4b:s9+s3], $0x80, v2, vm0, $0xb8;
	[tilespmem:$0x10100] =	vst v63  }
0xa7: {  	s25 =	simm.s32 $0x2900  }
0xa8: {  	[tilespmem:s25], [sflag:$0x1] =	stream.indirect_vreg.gather [hbm4b:s10+s3], $0x80, v2, vm0, $0xb8;
	[tilespmem:$0x10100] =	vst v63  }
0xa9: {  	s25 =	simm.s32 $0x3100  }
0xaa: {  	[tilespmem:s25], [sflag:$0x1] =	stream.indirect_vreg.gather [hbm4b:s11+s3], $0x80, v2, vm0, $0xb8;
	[tilespmem:$0x10100] =	vst v63  }
0xab: {  	s25 =	simm.s32 $0x3900  }
0xac: {  	[tilespmem:s25], [sflag:$0x1] =	stream.indirect_vreg.gather [hbm4b:s12+s3], $0x80, v2, vm0, $0xb8;
	[tilespmem:$0x10100] =	vst v63  }
0xad: {  	_ =	swait.ge [sflag:s17], $0x4000  }
0xae: {  	[sflag:s17] =	ssyncset.done $0x0  }
0xaf: {  	[sflag:s17] =	ssyncadd.s32 $0xFFFFC000  }
0xb0: {  	v2 =	vld.msk [tilespmem:s21+$0xFFFFFFF0], $0xff;
	_ =	sdelay $0x4  }
0xb1: {  	v3 =	vshll.u32 v2, $0x4  }
0xb2: {  	v2 =	vand.u32 $0x7, v2;
	v3 =	vand.u32 $0xFFFFFF80, v3  }
0xb3: {  	v2 =	vor.u32 v2, v3  }
0xb4: {  	v2 =	vperm.xlane v2, v0;
	_ =	sdelay $0x1  }
0xb5: {  	v2 =	vadd.s32 v1, v2;
	_ =	sdelay $0x4  }
0xb6: {  	[tilespmem:s26], [sflag:$0x2] =	stream.indirect_vreg.gather [hbm4b:s2+s3], $0x80, v2, vm0, $0xb8;
	[tilespmem:$0x10100] =	vst v63  }
0xb7: {  	s25 =	simm.s32 $0x4900  }
0xb8: {  	[tilespmem:s25], [sflag:$0x2] =	stream.indirect_vreg.gather [hbm4b:s6+s3], $0x80, v2, vm0, $0xb8;
	[tilespmem:$0x10100] =	vst v63  }
0xb9: {  	s25 =	simm.s32 $0x5100  }
0xba: {  	[tilespmem:s25], [sflag:$0x2] =	stream.indirect_vreg.gather [hbm4b:s7+s3], $0x80, v2, vm0, $0xb8;
	[tilespmem:$0x10100] =	vst v63  }
0xbb: {  	s25 =	simm.s32 $0x5900  }
0xbc: {  	[tilespmem:s25], [sflag:$0x2] =	stream.indirect_vreg.gather [hbm4b:s8+s3], $0x80, v2, vm0, $0xb8;
	[tilespmem:$0x10100] =	vst v63  }
0xbd: {  	s25 =	simm.s32 $0x6100  }
0xbe: {  	[tilespmem:s25], [sflag:$0x2] =	stream.indirect_vreg.gather [hbm4b:s9+s3], $0x80, v2, vm0, $0xb8;
	[tilespmem:$0x10100] =	vst v63  }
0xbf: {  	s25 =	simm.s32 $0x6900  }
0xc0: {  	[tilespmem:s25], [sflag:$0x2] =	stream.indirect_vreg.gather [hbm4b:s10+s3], $0x80, v2, vm0, $0xb8;
	[tilespmem:$0x10100] =	vst v63  }
0xc1: {  	s25 =	simm.s32 $0x7100  }
0xc2: {  	[tilespmem:s25], [sflag:$0x2] =	stream.indirect_vreg.gather [hbm4b:s11+s3], $0x80, v2, vm0, $0xb8;
	[tilespmem:$0x10100] =	vst v63  }
0xc3: {  	s25 =	simm.s32 $0x7900  }
0xc4: {  	[tilespmem:s25], [sflag:$0x2] =	stream.indirect_vreg.gather [hbm4b:s12+s3], $0x80, v2, vm0, $0xb8;
	[tilespmem:$0x10100] =	vst v63  }
0xc5: {  	_ =	swait.ge [sflag:s19], $0x4000  }
0xc6: {  	[sflag:s19] =	ssyncset.done $0x0  }
0xc7: {  	[sflag:s19] =	ssyncadd.s32 $0xFFFFC000  }
0xc8: {  	v2 =	vld.msk [tilespmem:s21+$0xFFFFFFF8], $0xff;
	_ =	sdelay $0x4  }
0xc9: {  	v3 =	vshll.u32 v2, $0x4  }
0xca: {  	v2 =	vand.u32 $0x7, v2;
	v3 =	vand.u32 $0xFFFFFF80, v3  }
0xcb: {  	v2 =	vor.u32 v2, v3  }
0xcc: {  	v2 =	vperm.xlane v2, v0;
	_ =	sdelay $0x1  }
0xcd: {  	v2 =	vadd.s32 v1, v2;
	_ =	sdelay $0x4  }
0xce: {  	[tilespmem:s16], [sflag:$0x3] =	stream.indirect_vreg.gather [hbm4b:s2+s3], $0x80, v2, vm0, $0xb8;
	[tilespmem:$0x10100] =	vst v63  }
0xcf: {  	s25 =	simm.s32 $0x8900  }
0xd0: {  	[tilespmem:s25], [sflag:$0x3] =	stream.indirect_vreg.gather [hbm4b:s6+s3], $0x80, v2, vm0, $0xb8;
	[tilespmem:$0x10100] =	vst v63  }
0xd1: {  	s25 =	simm.s32 $0x9100  }
0xd2: {  	[tilespmem:s25], [sflag:$0x3] =	stream.indirect_vreg.gather [hbm4b:s7+s3], $0x80, v2, vm0, $0xb8;
	[tilespmem:$0x10100] =	vst v63  }
0xd3: {  	s25 =	simm.s32 $0x9900  }
0xd4: {  	[tilespmem:s25], [sflag:$0x3] =	stream.indirect_vreg.gather [hbm4b:s8+s3], $0x80, v2, vm0, $0xb8;
	[tilespmem:$0x10100] =	vst v63  }
0xd5: {  	s25 =	simm.s32 $0xA100  }
0xd6: {  	[tilespmem:s25], [sflag:$0x3] =	stream.indirect_vreg.gather [hbm4b:s9+s3], $0x80, v2, vm0, $0xb8;
	[tilespmem:$0x10100] =	vst v63  }
0xd7: {  	s25 =	simm.s32 $0xA900  }
0xd8: {  	[tilespmem:s25], [sflag:$0x3] =	stream.indirect_vreg.gather [hbm4b:s10+s3], $0x80, v2, vm0, $0xb8;
	[tilespmem:$0x10100] =	vst v63  }
0xd9: {  	s25 =	simm.s32 $0xB100  }
0xda: {  	[tilespmem:s25], [sflag:$0x3] =	stream.indirect_vreg.gather [hbm4b:s11+s3], $0x80, v2, vm0, $0xb8;
	[tilespmem:$0x10100] =	vst v63  }
0xdb: {  	s25 =	simm.s32 $0xB900  }
0xdc: {  	[tilespmem:s25], [sflag:$0x3] =	stream.indirect_vreg.gather [hbm4b:s12+s3], $0x80, v2, vm0, $0xb8;
	[tilespmem:$0x10100] =	vst v63  }
0xdd: {  	_ =	swait.ge [sflag:s20], $0x4000  }
0xde: {  	[sflag:s20] =	ssyncset.done $0x0  }
0xdf: {  	[sflag:s20] =	ssyncadd.s32 $0xFFFFC000  }
0xe0: {  	v2 =	vld.msk [tilespmem:s21+$0x0], $0xff;
	_ =	sdelay $0x4  }
0xe1: {  	v3 =	vshll.u32 v2, $0x4  }
0xe2: {  	v2 =	vand.u32 $0x7, v2;
	v3 =	vand.u32 $0xFFFFFF80, v3  }
0xe3: {  	v2 =	vor.u32 v2, v3  }
0xe4: {  	v2 =	vperm.xlane v2, v0;
	_ =	sdelay $0x1  }
0xe5: {  	v2 =	vadd.s32 v1, v2;
	_ =	sdelay $0x4  }
0xe6: {  	[tilespmem:s23], [sflag:$0x4] =	stream.indirect_vreg.gather [hbm4b:s2+s3], $0x80, v2, vm0, $0xb8;
	[tilespmem:$0x10100] =	vst v63  }
0xe7: {  	s25 =	simm.s32 $0xC900  }
0xe8: {  	[tilespmem:s25], [sflag:$0x4] =	stream.indirect_vreg.gather [hbm4b:s6+s3], $0x80, v2, vm0, $0xb8;
	[tilespmem:$0x10100] =	vst v63  }
0xe9: {  	s25 =	simm.s32 $0xD100  }
0xea: {  	[tilespmem:s25], [sflag:$0x4] =	stream.indirect_vreg.gather [hbm4b:s7+s3], $0x80, v2, vm0, $0xb8;
	[tilespmem:$0x10100] =	vst v63  }
0xeb: {  	_ = 	snop  }
0xec: {  	[tilespmem:s28], [sflag:$0x4] =	stream.indirect_vreg.gather [hbm4b:s8+s3], $0x80, v2, vm0, $0xb8;
	[tilespmem:$0x10100] =	vst v63  }
0xed: {  	_ = 	snop  }
0xee: {  	[tilespmem:s29], [sflag:$0x4] =	stream.indirect_vreg.gather [hbm4b:s9+s3], $0x80, v2, vm0, $0xb8;
	[tilespmem:$0x10100] =	vst v63  }
0xef: {  	_ = 	snop  }
0xf0: {  	[tilespmem:s30], [sflag:$0x4] =	stream.indirect_vreg.gather [hbm4b:s10+s3], $0x80, v2, vm0, $0xb8;
	[tilespmem:$0x10100] =	vst v63  }
.Ltmp3:
0xf1: {  	_ = 	snop;
	(pc) =	sbr.rel .LBB2_2-.Ltmp3, $4  }
0xf2: {  	_ = 	snop  }
0xf3: {  	[tilespmem:s31], [sflag:$0x4] =	stream.indirect_vreg.gather [hbm4b:s11+s3], $0x80, v2, vm0, $0xb8;
	[tilespmem:$0x10100] =	vst v63  }
0xf4: {  	s22 =	sadd.s32 $0x2000, s22;
	s21 =	sadd.s32 $0x20, s21  }
0xf5: {  	[tilespmem:s1], [sflag:$0x4] =	stream.indirect_vreg.gather [hbm4b:s12+s3], $0x80, v2, vm0, $0xb8;
	[tilespmem:$0x10100] =	vst v63  }
.LBB2_5:
0xf6: {  	_ =	sfence.sel $0x180000  }
0xf7: {  	[bflag:$0x0] =	sbarrier.arrive $0xFFFF  }
0xf8: {  	_ =	strace $0x90000047  }
0xf9: {  	s0 =	stileid.u32;
	[bflag:$0x2] =	sbarrier.arrive $0xFFFF  }
0xfa: {  	p0 =	sne.s32 s0, $0x0;
	s0 =	rddreg [dreg:$0x3]  }
0xfb: {  	s0 =	sadd.s32 @!p0 $0x100000, s0  }
0xfc: {  	[sflag:s0] =	ssyncadd.tile.s32 @!p0 $0x1;
	_ =	shalt  }
.Lfunc_end2:
_tile_overlayer_lowered:
.L_overlay_start_2:
0xfd: {  	(tag) =	ssettag $0x2  }
0xfe: {  	s0 =	rddreg [dreg:$0x0];
	s2 =	stileid.u32  }
0xff: {  	s1 =	rddreg [dreg:$0x1];
	p0 =	sne.s32 s2, $0x0  }
0x100: {  	s3 =	rddreg [dreg:$0x2];
	[bflag:$0x3] =	sbarrier.arrive $0xFFFF;
	s2 =	simm.s32 @!p0 $0x1C09  }
0x101: {  	[timem:s3], [sflag:s2] =	dma.local @!p0 [hbm:s0], s1  }
0x102: {  	s0 =	simm.s32 @!p0 $0x9  }
0x103: {  	_ =	swait.ge @!p0 [sflag:s0], s1  }
0x104: {  	s1 =	ssub.s32 @!p0 $0x0, s1;
	[sflag:s0] =	ssyncset.done @!p0 $0x0  }
0x105: {  	[sflag:s0] =	ssyncadd.s32 @!p0 s1  }
0x106: {  	[bflag:$0x3] =	sbarrier.arrive $0xFFFF  }
0x107: {  	_ =	shalt  }

</sc_bundles>
